<compile_context>
chip_gen: v7x
topology: tpu7x:2x2x1
jax: 0.10.2.dev20260603
libtpu: 0.0.44.dev20260713+nightly
codegen_flags: <defaults>
</compile_context>

<pallas_src>
import functools

import jax
import jax.numpy as jnp
from jax import lax
from jax.experimental import pallas as pl
from jax.experimental.pallas import tpu as pltpu
from jax.experimental.pallas import tpu_sc as plsc

N = 256
CUTOFF = 10
LN2 = 0.6931471805599453
L = 16

_SC_MESH = plsc.VectorSubcoreMesh(core_axis_name="c", subcore_axis_name="s")


@functools.partial(
    pl.kernel,
    mesh=_SC_MESH,
    out_type=jax.ShapeDtypeStruct((2, N), jnp.int32),
    scratch_types=[
        pltpu.VMEM((N + L,), jnp.float32),
        pltpu.VMEM((L,), jnp.int32),
    ],
)
def _sc_ranks(vals_hbm, ranks_hbm, half_v, rank_v):
    wid = lax.axis_index("s") * 2 + lax.axis_index("c")
    half = wid // 16
    local = (wid % 16) * L
    pltpu.sync_copy(vals_hbm.at[pl.ds(half * N, N)], half_v.at[pl.ds(0, N)])
    pltpu.sync_copy(vals_hbm.at[pl.ds(half * N, L)], half_v.at[pl.ds(N, L)])

    iota = lax.iota(jnp.int32, L)
    mine_idx = local + iota
    mine = half_v[pl.ds(local, L)]

    def body(t, acc):
        v = half_v[pl.ds(t, L)]
        kg = t + iota
        kidx = jnp.where(kg >= N, kg - N, kg)
        gt = jnp.where(v > mine, 1, 0)
        tie = jnp.where((v == mine) & (kidx < mine_idx), 1, 0)
        return acc + gt + tie

    acc = lax.fori_loop(0, N, body, jnp.zeros((L,), jnp.int32))
    rank_v[...] = acc
    pltpu.sync_copy(rank_v, ranks_hbm.at[half, pl.ds(local, L)])


def _combine_kernel(o_row, s_row, ranks2, out_ref):
    orow = o_row[...]
    srow = s_row[...]
    r = ranks2[...]

    def disc(rank_i32):
        rank = rank_i32.astype(jnp.float32)
        return jnp.where(rank < CUTOFF, LN2 / jnp.log(rank + 2.0), 0.0)

    d_row = disc(r[0:1, :])
    ds_row = disc(r[1:2, :])
    g_row = jnp.exp(srow * LN2) - 1.0
    idcg = jnp.sum(g_row * ds_row, axis=(0, 1), keepdims=True)

    ones = jnp.ones((1, N), jnp.float32)

    def colmat(x_row):
        return lax.dot_general(x_row, ones, (((0,), (0,)), ((), ())),
                               precision=lax.Precision.HIGHEST,
                               preferred_element_type=jnp.float32)

    oc = colmat(orow)
    gc = colmat(g_row)
    dc = colmat(d_row)

    diff = oc - orow
    logits = jax.nn.sigmoid(diff)
    log_p = jnp.maximum(jnp.log(logits), -100.0)
    log_1mp = jnp.maximum(jnp.log(1.0 - logits), -100.0)
    labels = jnp.where(gc > g_row, 1.0, 0.0)
    bce = -(labels * log_p + (1.0 - labels) * log_1mp)

    w = (jnp.abs(gc - g_row) * jnp.abs(dc - d_row)
         * jnp.where(oc != orow, 1.0, 0.0))
    total = jnp.sum(bce * w, axis=(0, 1), keepdims=True)
    out_ref[...] = total / (idcg * N)


def kernel(outputs, scores):
    o = outputs.reshape(-1)
    s = scores.reshape(-1)
    ranks = _sc_ranks(jnp.concatenate([o, s]))
    loss = pl.pallas_call(
        _combine_kernel,
        out_shape=jax.ShapeDtypeStruct((1, 1), jnp.float32),
    )(o.reshape(1, N), s.reshape(1, N), ranks)
    return loss.reshape(())

# --- scband reference (transcript-rebuilt; emitter-appended) ---
"""Pipeline reference for scband-lambada-rank-loss-790273982468 (READ-ONLY COPY).

The authoritative reference and input builder live on the scoring server;
editing this copy changes nothing except your own understanding.
"""

import jax, jax.numpy as jnp
import numpy as np

NDCG_CUTOFF = 10


def _ndcg(out_flat, sc_flat):
    disc = jnp.log2(jnp.arange(2, NDCG_CUTOFF + 2, dtype=jnp.float32))
    top = jnp.argsort(-out_flat)[:NDCG_CUTOFF]
    dcg = jnp.sum((jnp.power(2.0, sc_flat[top]) - 1.0) / disc)
    ideal = jnp.sort(sc_flat)[::-1][:NDCG_CUTOFF]
    idcg = jnp.sum((jnp.power(2.0, ideal) - 1.0) / disc)
    return dcg / idcg


def setup_inputs(seed: int = 0):
    key = jax.random.key(seed)
    k1, k2 = jax.random.split(key)
    outputs = jax.random.normal(k1, (256, 1), dtype=jnp.float32)
    scores = jax.random.uniform(k2, (256, 1), dtype=jnp.float32)
    return {"outputs": outputs, "scores": scores}


def reference(outputs, scores):
    n = outputs.shape[0]
    out_flat = outputs.reshape(-1)
    sc_flat = scores.reshape(-1)
    # pairwise sigmoid logits: sigmoid(s_i - s_j)
    logits = jax.nn.sigmoid(outputs - outputs.T)
    # pairwise preference labels
    labels = jnp.where(sc_flat[:, None] > sc_flat[None, :], 1.0, 0.0)
    # base NDCG of the unswapped list
    base = _ndcg(out_flat, sc_flat)
    idx = jnp.arange(n)
    ii, jj = jnp.meshgrid(idx, idx, indexing='ij')
    ii = ii.reshape(-1)
    jj = jj.reshape(-1)

    def pair_delta(i, j):
        swapped = out_flat.at[i].set(out_flat[j]).at[j].set(out_flat[i])
        d = jnp.abs(base - _ndcg(swapped, sc_flat))
        # torch code skips pairs with equal outputs (delta stays 0)
        return jnp.where(out_flat[i] != out_flat[j], d, 0.0)

    delta_ndcgs = jax.vmap(pair_delta)(ii, jj).reshape(n, n)
    # BCE with reduction='none' (torch clamps log at -100)
    log_p = jnp.clip(jnp.log(logits), -100.0, None)
    log_1mp = jnp.clip(jnp.log(1.0 - logits), -100.0, None)
    bce = -(labels * log_p + (1.0 - labels) * log_1mp)
    loss = jnp.sum(bce * delta_ndcgs) / n
    return loss

if __name__ == "__main__":
    import jax
    _d = setup_inputs()
    print(jax.jit(kernel)(*tuple(_d.values())))

</pallas_src>

<mosaic_0001>
#map = affine_map<(d0, d1) -> (0)>
#map1 = affine_map<(d0, d1) -> (0, 0)>
module attributes {stable_mosaic.version = 14 : i64} {
  func.func @_sc_ranks(%arg0: i32, %arg1: i32, %arg2: memref<512xf32, #tpu.memory_space<hbm>>, %arg3: memref<2x256xi32, #tpu.memory_space<hbm>>, %arg4: memref<272xf32, #tpu.memory_space<vmem>>, %arg5: memref<16xi32, #tpu.memory_space<vmem>>) attributes {dimension_semantics = [#tpu.dimension_semantics<core_parallel>, #tpu.dimension_semantics<subcore_parallel>], iteration_bounds = array<i64: 2, 16>, scalar_prefetch = 0 : i64, scratch_operands = 2 : i64, tpu.core_type = #tpu.core_type<sc_vector_subcore>, window_params = [{transform_indices = #map}, {transform_indices = #map1}]} {
    %mul3A = arith.constant 2 : i32
    %mul3A_0 = arith.muli %arg1, %mul3A : i32
    %add3A = arith.addi %mul3A_0, %arg0 : i32
    %jit3A = arith.constant 16 : i32
    %div3A = arith.divsi %add3A, %jit3A : i32
    %sign3A = arith.constant 0 : i32
    %sign3A_1 = arith.cmpi sgt, %add3A, %sign3A : i32
    %sign3A_2 = arith.extui %sign3A_1 : i1 to i32
    %sign3A_3 = arith.constant 0 : i32
    %sign3A_4 = arith.cmpi slt, %add3A, %sign3A_3 : i32
    %sign3A_5 = arith.extui %sign3A_4 : i1 to i32
    %sign3A_6 = arith.subi %sign3A_2, %sign3A_5 : i32
    %sign3A_7 = arith.constant 0 : i32
    %sign3A_8 = arith.cmpi sgt, %jit3A, %sign3A_7 : i32
    %sign3A_9 = arith.extui %sign3A_8 : i1 to i32
    %sign3A_10 = arith.constant 0 : i32
    %sign3A_11 = arith.cmpi slt, %jit3A, %sign3A_10 : i32
    %sign3A_12 = arith.extui %sign3A_11 : i1 to i32
    %sign3A_13 = arith.subi %sign3A_9, %sign3A_12 : i32
    %ne3A = arith.cmpi ne, %sign3A_6, %sign3A_13 : i32
    %rem3A = arith.remsi %add3A, %jit3A : i32
    %ne3A_14 = arith.constant 0 : i32
    %ne3A_15 = arith.cmpi ne, %rem3A, %ne3A_14 : i32
    %and3A = arith.andi %ne3A, %ne3A_15 : i1
    %sub3A = arith.constant 1 : i32
    %sub3A_16 = arith.subi %div3A, %sub3A : i32
    %select_n3A = arith.select %and3A, %sub3A_16, %div3A : i32
    %jit3A_17 = arith.constant 16 : i32
    %eq3A = arith.constant 0 : i32
    %eq3A_18 = arith.cmpi eq, %jit3A_17, %eq3A : i32
    %jit3A_19 = arith.constant 1 : i32
    %select_n3A_20 = arith.select %eq3A_18, %jit3A_19, %jit3A_17 : i32
    %rem3A_21 = arith.remsi %add3A, %select_n3A_20 : i32
    %ne3A_22 = arith.constant 0 : i32
    %ne3A_23 = arith.cmpi ne, %rem3A_21, %ne3A_22 : i32
    %lt3A = arith.constant 0 : i32
    %lt3A_24 = arith.cmpi slt, %rem3A_21, %lt3A : i32
    %lt3A_25 = arith.constant 0 : i32
    %lt3A_26 = arith.cmpi slt, %select_n3A_20, %lt3A_25 : i32
    %ne3A_27 = arith.xori %lt3A_24, %lt3A_26 : i1
    %and3A_28 = arith.andi %ne3A_27, %ne3A_23 : i1
    %add3A_29 = arith.addi %rem3A_21, %select_n3A_20 : i32
    %select_n3A_30 = arith.select %and3A_28, %add3A_29, %rem3A_21 : i32
    %mul3A_31 = arith.constant 16 : i32
    %mul3A_32 = arith.muli %select_n3A_30, %mul3A_31 : i32
    %mul3A_33 = arith.constant 256 : i32
    %mul3A_34 = arith.muli %select_n3A, %mul3A_33 : i32
    "tpu.region"() ({
      %run_scoped3A = tpu.sem_alloc : memref<!tpu.dma_semaphore, #tpu.memory_space<semaphore_mem>>
      %dma_start3A = arith.constant 0 : i32
      %dma_start3A_50 = tpu.memref_slice %arg4[%dma_start3A] : memref<272xf32, #tpu.memory_space<vmem>> -> memref<256xf32, #tpu.memory_space<vmem>>
      %dma_start3A_51 = tpu.memref_slice %arg2[%mul3A_34] : memref<512xf32, #tpu.memory_space<hbm>> -> memref<256xf32, #tpu.memory_space<hbm>>
      %dma_start3A_52 = arith.constant 0 : i32
      %dma_start3A_53 = tpu.memref_slice %arg4[%dma_start3A_52] : memref<272xf32, #tpu.memory_space<vmem>> -> memref<256xf32, #tpu.memory_space<vmem>>
      %dma_start3A_54 = tpu.memref_slice %arg2[%mul3A_34] : memref<512xf32, #tpu.memory_space<hbm>> -> memref<256xf32, #tpu.memory_space<hbm>>
      tpu.enqueue_dma source(%dma_start3A_54 : memref<256xf32, #tpu.memory_space<hbm>>) target(%dma_start3A_53 : memref<256xf32, #tpu.memory_space<vmem>>) target_semaphore(%run_scoped3A : memref<!tpu.dma_semaphore, #tpu.memory_space<semaphore_mem>>)
      %dma_wait3A = arith.constant 0 : i32
      %dma_wait3A_55 = tpu.memref_slice %arg4[%dma_wait3A] : memref<272xf32, #tpu.memory_space<vmem>> -> memref<256xf32, #tpu.memory_space<vmem>>
      %dma_wait3A_56 = tpu.memref_slice %arg2[%mul3A_34] : memref<512xf32, #tpu.memory_space<hbm>> -> memref<256xf32, #tpu.memory_space<hbm>>
      %dma_wait3A_57 = arith.constant 0 : i32
      %dma_wait3A_58 = tpu.memref_slice %arg4[%dma_wait3A_57] : memref<272xf32, #tpu.memory_space<vmem>> -> memref<256xf32, #tpu.memory_space<vmem>>
      %dma_wait3A_59 = tpu.memref_slice %arg2[%mul3A_34] : memref<512xf32, #tpu.memory_space<hbm>> -> memref<256xf32, #tpu.memory_space<hbm>>
      tpu.wait_dma2 semaphore(%run_scoped3A : memref<!tpu.dma_semaphore, #tpu.memory_space<semaphore_mem>>) src(%dma_wait3A_59 : memref<256xf32, #tpu.memory_space<hbm>>) dst(%dma_wait3A_58 : memref<256xf32, #tpu.memory_space<vmem>>)
      tpu.yield
    }) : () -> ()
    %mul3A_35 = arith.constant 256 : i32
    %mul3A_36 = arith.muli %select_n3A, %mul3A_35 : i32
    "tpu.region"() ({
      %run_scoped3A = tpu.sem_alloc : memref<!tpu.dma_semaphore, #tpu.memory_space<semaphore_mem>>
      %dma_start3A = arith.constant 256 : i32
      %dma_start3A_50 = tpu.memref_slice %arg4[%dma_start3A] : memref<272xf32, #tpu.memory_space<vmem>> -> memref<16xf32, #tpu.memory_space<vmem>>
      %dma_start3A_51 = tpu.memref_slice %arg2[%mul3A_36] : memref<512xf32, #tpu.memory_space<hbm>> -> memref<16xf32, #tpu.memory_space<hbm>>
      %dma_start3A_52 = arith.constant 256 : i32
      %dma_start3A_53 = tpu.memref_slice %arg4[%dma_start3A_52] : memref<272xf32, #tpu.memory_space<vmem>> -> memref<16xf32, #tpu.memory_space<vmem>>
      %dma_start3A_54 = tpu.memref_slice %arg2[%mul3A_36] : memref<512xf32, #tpu.memory_space<hbm>> -> memref<16xf32, #tpu.memory_space<hbm>>
      tpu.enqueue_dma source(%dma_start3A_54 : memref<16xf32, #tpu.memory_space<hbm>>) target(%dma_start3A_53 : memref<16xf32, #tpu.memory_space<vmem>>) target_semaphore(%run_scoped3A : memref<!tpu.dma_semaphore, #tpu.memory_space<semaphore_mem>>)
      %dma_wait3A = arith.constant 256 : i32
      %dma_wait3A_55 = tpu.memref_slice %arg4[%dma_wait3A] : memref<272xf32, #tpu.memory_space<vmem>> -> memref<16xf32, #tpu.memory_space<vmem>>
      %dma_wait3A_56 = tpu.memref_slice %arg2[%mul3A_36] : memref<512xf32, #tpu.memory_space<hbm>> -> memref<16xf32, #tpu.memory_space<hbm>>
      %dma_wait3A_57 = arith.constant 256 : i32
      %dma_wait3A_58 = tpu.memref_slice %arg4[%dma_wait3A_57] : memref<272xf32, #tpu.memory_space<vmem>> -> memref<16xf32, #tpu.memory_space<vmem>>
      %dma_wait3A_59 = tpu.memref_slice %arg2[%mul3A_36] : memref<512xf32, #tpu.memory_space<hbm>> -> memref<16xf32, #tpu.memory_space<hbm>>
      tpu.wait_dma2 semaphore(%run_scoped3A : memref<!tpu.dma_semaphore, #tpu.memory_space<semaphore_mem>>) src(%dma_wait3A_59 : memref<16xf32, #tpu.memory_space<hbm>>) dst(%dma_wait3A_58 : memref<16xf32, #tpu.memory_space<vmem>>)
      tpu.yield
    }) : () -> ()
    %iota3A = tpu.iota {dimensions = array<i32: 0>} : vector<16xi32>
    %add3A_37 = vector.broadcast %mul3A_32 : i32 to vector<16xi32>
    %add3A_38 = arith.addi %add3A_37, %iota3A : vector<16xi32>
    %get3A = arith.index_cast %mul3A_32 : i32 to index
    %get3A_39 = tpu.vector_load %arg4[%get3A] {strides = array<i32>} : memref<272xf32, #tpu.memory_space<vmem>>, vector<16xf32>,
    %get3A_40 = vector.shape_cast %get3A_39 : vector<16xf32> to vector<16xf32>
    %broadcast_in_dim3A = arith.constant 0 : i32
    %broadcast_in_dim3A_41 = vector.broadcast %broadcast_in_dim3A : i32 to vector<16xi32>
    %scan3A = arith.constant 0 : i32
    %scan3A_42 = arith.constant 256 : i32
    %scan3A_43 = arith.addi %scan3A, %scan3A_42 : i32
    %scan3A_44 = arith.constant 1 : i32
    %scan3A_45 = scf.for %scan3A_50 = %scan3A to %scan3A_43 step %scan3A_44 iter_args(%scan3A_51 = %broadcast_in_dim3A_41) -> (vector<16xi32>)  : i32 {
      %get3A_52 = arith.index_cast %scan3A_50 : i32 to index
      %get3A_53 = tpu.vector_load %arg4[%get3A_52] {strides = array<i32>} : memref<272xf32, #tpu.memory_space<vmem>>, vector<16xf32>,
      %get3A_54 = vector.shape_cast %get3A_53 : vector<16xf32> to vector<16xf32>
      %add3A_55 = vector.broadcast %scan3A_50 : i32 to vector<16xi32>
      %add3A_56 = arith.addi %add3A_55, %iota3A : vector<16xi32>
      %ge3A = arith.constant 256 : i32
      %ge3A_57 = vector.broadcast %ge3A : i32 to vector<16xi32>
      %ge3A_58 = arith.cmpi sge, %add3A_56, %ge3A_57 : vector<16xi32>
      %sub3A_59 = arith.constant 256 : i32
      %sub3A_60 = vector.broadcast %sub3A_59 : i32 to vector<16xi32>
      %sub3A_61 = arith.subi %add3A_56, %sub3A_60 : vector<16xi32>
      %select_n3A_62 = arith.select %ge3A_58, %sub3A_61, %add3A_56 : vector<16xi1>, vector<16xi32>
      %gt3A = arith.cmpf ogt, %get3A_54, %get3A_40 : vector<16xf32>
      %jit3A_63 = arith.constant 1 : i32
      %jit3A_64 = arith.constant 0 : i32
      %broadcast_in_dim3A_65 = vector.broadcast %jit3A_63 : i32 to vector<16xi32>
      %broadcast_in_dim3A_66 = vector.broadcast %jit3A_64 : i32 to vector<16xi32>
      %select_n3A_67 = arith.select %gt3A, %broadcast_in_dim3A_65, %broadcast_in_dim3A_66 : vector<16xi1>, vector<16xi32>
      %eq3A_68 = arith.cmpf oeq, %get3A_54, %get3A_40 : vector<16xf32>
      %lt3A_69 = arith.cmpi slt, %select_n3A_62, %add3A_38 : vector<16xi32>
      %and3A_70 = arith.andi %eq3A_68, %lt3A_69 : vector<16xi1>
      %jit3A_71 = arith.constant 1 : i32
      %jit3A_72 = arith.constant 0 : i32
      %broadcast_in_dim3A_73 = vector.broadcast %jit3A_71 : i32 to vector<16xi32>
      %broadcast_in_dim3A_74 = vector.broadcast %jit3A_72 : i32 to vector<16xi32>
      %select_n3A_75 = arith.select %and3A_70, %broadcast_in_dim3A_73, %broadcast_in_dim3A_74 : vector<16xi1>, vector<16xi32>
      %add3A_76 = arith.addi %scan3A_51, %select_n3A_67 : vector<16xi32>
      %add3A_77 = arith.addi %add3A_76, %select_n3A_75 : vector<16xi32>
      scf.yield %add3A_77 : vector<16xi32>
    }
    %scan3A_46 = arith.constant 256 : i32
    %swap3A = arith.constant 0 : index
    %swap3A_47 = tpu.vector_load %arg5[%swap3A] {strides = array<i32>} : memref<16xi32, #tpu.memory_space<vmem>>, vector<16xi32>,
    %swap3A_48 = vector.shape_cast %swap3A_47 : vector<16xi32> to vector<16xi32>
    %swap3A_49 = vector.shape_cast %scan3A_45 : vector<16xi32> to vector<16xi32>
    tpu.vector_store %arg5[%swap3A], %swap3A_49 {strides = array<i32>} : memref<16xi32, #tpu.memory_space<vmem>>, vector<16xi32>,
    "tpu.region"() ({
      %run_scoped3A = tpu.sem_alloc : memref<!tpu.dma_semaphore, #tpu.memory_space<semaphore_mem>>
      %dma_start3A = tpu.memref_slice %arg3[%select_n3A, %mul3A_32] : memref<2x256xi32, #tpu.memory_space<hbm>> -> memref<1x16xi32, #tpu.memory_space<hbm>>
      %dma_start3A_50 = tpu.memref_squeeze %dma_start3A : memref<1x16xi32, #tpu.memory_space<hbm>> -> memref<16xi32, #tpu.memory_space<hbm>>
      %dma_start3A_51 = tpu.memref_slice %arg3[%select_n3A, %mul3A_32] : memref<2x256xi32, #tpu.memory_space<hbm>> -> memref<1x16xi32, #tpu.memory_space<hbm>>
      %dma_start3A_52 = tpu.memref_squeeze %dma_start3A_51 : memref<1x16xi32, #tpu.memory_space<hbm>> -> memref<16xi32, #tpu.memory_space<hbm>>
      tpu.enqueue_dma source(%arg5 : memref<16xi32, #tpu.memory_space<vmem>>) target(%dma_start3A_52 : memref<16xi32, #tpu.memory_space<hbm>>) target_semaphore(%run_scoped3A : memref<!tpu.dma_semaphore, #tpu.memory_space<semaphore_mem>>)
      %dma_wait3A = tpu.memref_slice %arg3[%select_n3A, %mul3A_32] : memref<2x256xi32, #tpu.memory_space<hbm>> -> memref<1x16xi32, #tpu.memory_space<hbm>>
      %dma_wait3A_53 = tpu.memref_squeeze %dma_wait3A : memref<1x16xi32, #tpu.memory_space<hbm>> -> memref<16xi32, #tpu.memory_space<hbm>>
      %dma_wait3A_54 = tpu.memref_slice %arg3[%select_n3A, %mul3A_32] : memref<2x256xi32, #tpu.memory_space<hbm>> -> memref<1x16xi32, #tpu.memory_space<hbm>>
      %dma_wait3A_55 = tpu.memref_squeeze %dma_wait3A_54 : memref<1x16xi32, #tpu.memory_space<hbm>> -> memref<16xi32, #tpu.memory_space<hbm>>
      tpu.wait_dma2 semaphore(%run_scoped3A : memref<!tpu.dma_semaphore, #tpu.memory_space<semaphore_mem>>) src(%arg5 : memref<16xi32, #tpu.memory_space<vmem>>) dst(%dma_wait3A_55 : memref<16xi32, #tpu.memory_space<hbm>>)
      tpu.yield
    }) : () -> ()
    return
  }
}

module attributes {stable_mosaic.version = 14 : i64} {
  func.func @_combine_kernel(%arg0: memref<1x256xf32, #tpu.memory_space<vmem>>, %arg1: memref<1x256xf32, #tpu.memory_space<vmem>>, %arg2: memref<2x256xi32, #tpu.memory_space<vmem>>, %arg3: memref<1x1xf32, #tpu.memory_space<vmem>>) attributes {dimension_semantics = [], scalar_prefetch = 0 : i64, scratch_operands = 0 : i64, tpu.core_type = #tpu.core_type<tc>} {
    %get3A = arith.constant 0 : index
    %get3A_0 = arith.constant 0 : index
    %get3A_1 = vector.load %arg0[%get3A, %get3A_0] : memref<1x256xf32, #tpu.memory_space<vmem>>, vector<1x256xf32>
    %get3A_2 = arith.constant 0 : index
    %get3A_3 = arith.constant 0 : index
    %get3A_4 = vector.load %arg1[%get3A_2, %get3A_3] : memref<1x256xf32, #tpu.memory_space<vmem>>, vector<1x256xf32>
    %get3A_5 = arith.constant 0 : index
    %get3A_6 = arith.constant 0 : index
    %get3A_7 = vector.load %arg2[%get3A_5, %get3A_6] : memref<2x256xi32, #tpu.memory_space<vmem>>, vector<2x256xi32>
    %slice3A = vector.extract_strided_slice %get3A_7 {offsets = [0, 0], sizes = [1, 256], strides = [1, 1]} : vector<2x256xi32> to vector<1x256xi32>
    %convert_element_type3A = arith.sitofp %slice3A : vector<1x256xi32> to vector<1x256xf32>
    %lt3A = arith.constant 1.000000e+01 : f32
    %lt3A_8 = vector.broadcast %lt3A : f32 to vector<1x256xf32>
    %lt3A_9 = arith.cmpf olt, %convert_element_type3A, %lt3A_8 : vector<1x256xf32>
    %add3A = arith.constant 2.000000e+00 : f32
    %add3A_10 = vector.broadcast %add3A : f32 to vector<1x256xf32>
    %add3A_11 = arith.addf %convert_element_type3A, %add3A_10 : vector<1x256xf32>
    %log3A = math.log %add3A_11 : vector<1x256xf32>
    %div3A = arith.constant 0.693147182 : f32
    %div3A_12 = vector.broadcast %div3A : f32 to vector<1x256xf32>
    %div3A_13 = arith.divf %div3A_12, %log3A : vector<1x256xf32>
    %jit3A = arith.constant 0.000000e+00 : f32
    %broadcast_in_dim3A = vector.broadcast %jit3A : f32 to vector<1x256xf32>
    %select_n3A = arith.select %lt3A_9, %div3A_13, %broadcast_in_dim3A : vector<1x256xi1>, vector<1x256xf32>
    %slice3A_14 = vector.extract_strided_slice %get3A_7 {offsets = [1, 0], sizes = [1, 256], strides = [1, 1]} : vector<2x256xi32> to vector<1x256xi32>
    %convert_element_type3A_15 = arith.sitofp %slice3A_14 : vector<1x256xi32> to vector<1x256xf32>
    %lt3A_16 = arith.constant 1.000000e+01 : f32
    %lt3A_17 = vector.broadcast %lt3A_16 : f32 to vector<1x256xf32>
    %lt3A_18 = arith.cmpf olt, %convert_element_type3A_15, %lt3A_17 : vector<1x256xf32>
    %add3A_19 = arith.constant 2.000000e+00 : f32
    %add3A_20 = vector.broadcast %add3A_19 : f32 to vector<1x256xf32>
    %add3A_21 = arith.addf %convert_element_type3A_15, %add3A_20 : vector<1x256xf32>
    %log3A_22 = math.log %add3A_21 : vector<1x256xf32>
    %div3A_23 = arith.constant 0.693147182 : f32
    %div3A_24 = vector.broadcast %div3A_23 : f32 to vector<1x256xf32>
    %div3A_25 = arith.divf %div3A_24, %log3A_22 : vector<1x256xf32>
    %jit3A_26 = arith.constant 0.000000e+00 : f32
    %broadcast_in_dim3A_27 = vector.broadcast %jit3A_26 : f32 to vector<1x256xf32>
    %select_n3A_28 = arith.select %lt3A_18, %div3A_25, %broadcast_in_dim3A_27 : vector<1x256xi1>, vector<1x256xf32>
    %mul3A = arith.constant 0.693147182 : f32
    %mul3A_29 = vector.broadcast %mul3A : f32 to vector<1x256xf32>
    %mul3A_30 = arith.mulf %get3A_4, %mul3A_29 : vector<1x256xf32>
    %exp3A = math.exp %mul3A_30 : vector<1x256xf32>
    %sub3A = arith.constant 1.000000e+00 : f32
    %sub3A_31 = vector.broadcast %sub3A : f32 to vector<1x256xf32>
    %sub3A_32 = arith.subf %exp3A, %sub3A_31 : vector<1x256xf32>
    %mul3A_33 = arith.mulf %sub3A_32, %select_n3A_28 : vector<1x256xf32>
    %reduce_sum3A = vector.shape_cast %mul3A_33 : vector<1x256xf32> to vector<1x1x256xf32>
    %reduce_sum3A_34 = arith.constant dense<0.000000e+00> : vector<1xf32>
    %reduce_sum3A_35 = vector.multi_reduction <add>, %reduce_sum3A, %reduce_sum3A_34 [1, 2] : vector<1x1x256xf32> to vector<1xf32>
    %reduce_sum3A_36 = vector.shape_cast %reduce_sum3A_35 : vector<1xf32> to vector<1x1x1xf32>
    %reduce_sum3A_37 = vector.extract %reduce_sum3A_36[0, 0, 0] : f32 from vector<1x1x1xf32>
    %broadcast_in_dim3A_38 = vector.broadcast %reduce_sum3A_37 : f32 to vector<1x1xf32>
    %broadcast_in_dim3A_39 = arith.constant 1.000000e+00 : f32
    %broadcast_in_dim3A_40 = vector.broadcast %broadcast_in_dim3A_39 : f32 to vector<1x256xf32>
    %dot_general3A = arith.constant dense<0.000000e+00> : vector<256x256xf32>
    %dot_general3A_41 = tpu.matmul %get3A_1, %broadcast_in_dim3A_40, %dot_general3A {dimension_numbers = #tpu.dot_dimension_numbers<[0], [0], [1], [1], [0, 1, 1, 1], [], []>, precision = #tpu.contract_precision<fp32>, transpose_lhs_hint = false} : vector<1x256xf32>, vector<1x256xf32>, vector<256x256xf32> -> vector<256x256xf32>
    %dot_general3A_42 = arith.constant dense<0.000000e+00> : vector<256x256xf32>
    %dot_general3A_43 = tpu.matmul %sub3A_32, %broadcast_in_dim3A_40, %dot_general3A_42 {dimension_numbers = #tpu.dot_dimension_numbers<[0], [0], [1], [1], [0, 1, 1, 1], [], []>, precision = #tpu.contract_precision<fp32>, transpose_lhs_hint = false} : vector<1x256xf32>, vector<1x256xf32>, vector<256x256xf32> -> vector<256x256xf32>
    %dot_general3A_44 = arith.constant dense<0.000000e+00> : vector<256x256xf32>
    %dot_general3A_45 = tpu.matmul %select_n3A, %broadcast_in_dim3A_40, %dot_general3A_44 {dimension_numbers = #tpu.dot_dimension_numbers<[0], [0], [1], [1], [0, 1, 1, 1], [], []>, precision = #tpu.contract_precision<fp32>, transpose_lhs_hint = false} : vector<1x256xf32>, vector<1x256xf32>, vector<256x256xf32> -> vector<256x256xf32>
    %sub3A_46 = vector.broadcast %get3A_1 : vector<1x256xf32> to vector<256x256xf32>
    %sub3A_47 = arith.subf %dot_general3A_41, %sub3A_46 : vector<256x256xf32>
    %logistic3A = arith.negf %sub3A_47 : vector<256x256xf32>
    %logistic3A_48 = math.exp %logistic3A : vector<256x256xf32>
    %logistic3A_49 = arith.constant 1.000000e+00 : f32
    %logistic3A_50 = vector.broadcast %logistic3A_49 : f32 to vector<256x256xf32>
    %logistic3A_51 = arith.addf %logistic3A_50, %logistic3A_48 : vector<256x256xf32>
    %logistic3A_52 = arith.divf %logistic3A_50, %logistic3A_51 : vector<256x256xf32>
    %log3A_53 = math.log %logistic3A_52 : vector<256x256xf32>
    %max3A = arith.constant -1.000000e+02 : f32
    %max3A_54 = vector.broadcast %max3A : f32 to vector<256x256xf32>
    %max3A_55 = arith.maximumf %log3A_53, %max3A_54 : vector<256x256xf32>
    %sub3A_56 = arith.constant 1.000000e+00 : f32
    %sub3A_57 = vector.broadcast %sub3A_56 : f32 to vector<256x256xf32>
    %sub3A_58 = arith.subf %sub3A_57, %logistic3A_52 : vector<256x256xf32>
    %log3A_59 = math.log %sub3A_58 : vector<256x256xf32>
    %max3A_60 = arith.constant -1.000000e+02 : f32
    %max3A_61 = vector.broadcast %max3A_60 : f32 to vector<256x256xf32>
    %max3A_62 = arith.maximumf %log3A_59, %max3A_61 : vector<256x256xf32>
    %gt3A = vector.broadcast %sub3A_32 : vector<1x256xf32> to vector<256x256xf32>
    %gt3A_63 = arith.cmpf ogt, %dot_general3A_43, %gt3A : vector<256x256xf32>
    %jit3A_64 = arith.constant 1.000000e+00 : f32
    %jit3A_65 = arith.constant 0.000000e+00 : f32
    %broadcast_in_dim3A_66 = vector.broadcast %jit3A_64 : f32 to vector<256x256xf32>
    %broadcast_in_dim3A_67 = vector.broadcast %jit3A_65 : f32 to vector<256x256xf32>
    %select_n3A_68 = arith.select %gt3A_63, %broadcast_in_dim3A_66, %broadcast_in_dim3A_67 : vector<256x256xi1>, vector<256x256xf32>
    %mul3A_69 = arith.mulf %select_n3A_68, %max3A_55 : vector<256x256xf32>
    %sub3A_70 = arith.constant 1.000000e+00 : f32
    %sub3A_71 = vector.broadcast %sub3A_70 : f32 to vector<256x256xf32>
    %sub3A_72 = arith.subf %sub3A_71, %select_n3A_68 : vector<256x256xf32>
    %mul3A_73 = arith.mulf %sub3A_72, %max3A_62 : vector<256x256xf32>
    %add3A_74 = arith.addf %mul3A_69, %mul3A_73 : vector<256x256xf32>
    %neg3A = arith.constant 0.000000e+00 : f32
    %neg3A_75 = vector.broadcast %neg3A : f32 to vector<256x256xf32>
    %neg3A_76 = arith.subf %neg3A_75, %add3A_74 : vector<256x256xf32>
    %sub3A_77 = vector.broadcast %sub3A_32 : vector<1x256xf32> to vector<256x256xf32>
    %sub3A_78 = arith.subf %dot_general3A_43, %sub3A_77 : vector<256x256xf32>
    %abs3A = math.absf %sub3A_78 : vector<256x256xf32>
    %sub3A_79 = vector.broadcast %select_n3A : vector<1x256xf32> to vector<256x256xf32>
    %sub3A_80 = arith.subf %dot_general3A_45, %sub3A_79 : vector<256x256xf32>
    %abs3A_81 = math.absf %sub3A_80 : vector<256x256xf32>
    %mul3A_82 = arith.mulf %abs3A, %abs3A_81 : vector<256x256xf32>
    %ne3A = vector.broadcast %get3A_1 : vector<1x256xf32> to vector<256x256xf32>
    %ne3A_83 = arith.cmpf one, %dot_general3A_41, %ne3A : vector<256x256xf32>
    %jit3A_84 = arith.constant 1.000000e+00 : f32
    %jit3A_85 = arith.constant 0.000000e+00 : f32
    %broadcast_in_dim3A_86 = vector.broadcast %jit3A_84 : f32 to vector<256x256xf32>
    %broadcast_in_dim3A_87 = vector.broadcast %jit3A_85 : f32 to vector<256x256xf32>
    %select_n3A_88 = arith.select %ne3A_83, %broadcast_in_dim3A_86, %broadcast_in_dim3A_87 : vector<256x256xi1>, vector<256x256xf32>
    %mul3A_89 = arith.mulf %mul3A_82, %select_n3A_88 : vector<256x256xf32>
    %mul3A_90 = arith.mulf %neg3A_76, %mul3A_89 : vector<256x256xf32>
    %reduce_sum3A_91 = vector.shape_cast %mul3A_90 : vector<256x256xf32> to vector<1x256x256xf32>
    %reduce_sum3A_92 = arith.constant dense<0.000000e+00> : vector<1xf32>
    %reduce_sum3A_93 = vector.multi_reduction <add>, %reduce_sum3A_91, %reduce_sum3A_92 [1, 2] : vector<1x256x256xf32> to vector<1xf32>
    %reduce_sum3A_94 = vector.shape_cast %reduce_sum3A_93 : vector<1xf32> to vector<1x1x1xf32>
    %reduce_sum3A_95 = vector.extract %reduce_sum3A_94[0, 0, 0] : f32 from vector<1x1x1xf32>
    %broadcast_in_dim3A_96 = vector.broadcast %reduce_sum3A_95 : f32 to vector<1x1xf32>
    %mul3A_97 = arith.constant 2.560000e+02 : f32
    %mul3A_98 = vector.broadcast %mul3A_97 : f32 to vector<1x1xf32>
    %mul3A_99 = arith.mulf %broadcast_in_dim3A_38, %mul3A_98 : vector<1x1xf32>
    %div3A_100 = arith.divf %broadcast_in_dim3A_96, %mul3A_99 : vector<1x1xf32>
    %swap3A = arith.constant 0 : index
    %swap3A_101 = arith.constant 0 : index
    %swap3A_102 = vector.load %arg3[%swap3A, %swap3A_101] : memref<1x1xf32, #tpu.memory_space<vmem>>, vector<1x1xf32>
    tpu.vector_store %arg3[%swap3A, %swap3A_101], %div3A_100 {strides = array<i32>} : memref<1x1xf32, #tpu.memory_space<vmem>>, vector<1x1xf32>,
    return
  }
}

</mosaic_0001>

<sc_bundles>
// kernel: kernel.4.cloned.1.call-start
scs
__scs_entry_jumppad:
0x0: {  	(pc) =	sbr.rel $0x88, $3  }
0x1: {  	(tag) =	ssettag $0x0;
	lr =	simm.s32 $0x1  }
0x2: {  	[smem:$0x3F9F] =	sst lr;
	_ =	strace $0xD0000000  }
0x3: {  	_ = 	snop  }
0x4: {  	_ = 	snop  }
0x5: {  	_ = 	snop  }
0x6: {  	_ = 	snop  }
0x7: {  	_ = 	snop  }
__scs_overlays_trampoline_lowered:
0x8: {  	[smem:$0x3FAE] =	sst s0  }
0x9: {  	[smem:$0x3FAF] =	sst s1  }
0xa: {  	[smem:$0x3FB0] =	sst s2  }
0xb: {  	[smem:$0x3FB1] =	sst s3  }
0xc: {  	[smem:$0x3FB2] =	sst s4  }
0xd: {  	[smem:$0x3FB3] =	sst s5  }
0xe: {  	[smem:$0x3FB4] =	sst s6  }
0xf: {  	[smem:$0x3FB5] =	sst s7  }
0x10: {  	[smem:$0x3FB6] =	sst s8  }
0x11: {  	[smem:$0x3FB7] =	sst s9;
	s0 =	simm.s32 @!p0 $0x0  }
0x12: {  	s1 =	sld [smem:$0x3F9D];
	s0 =	simm.s32 @p0 $0x1  }
0x13: {  	[smem:$0x3FB8] =	sst s0;
	s0 =	simm.s32 @!p1 $0x0  }
0x14: {  	s2 =	sld [smem:$0x3F9C];
	s0 =	simm.s32 @p1 $0x1  }
0x15: {  	[smem:$0x3FB9] =	sst s0;
	s0 =	simm.s32 @!p2 $0x0  }
0x16: {  	s3 =	sld [smem:$0x3FDB];
	s0 =	simm.s32 @p2 $0x1  }
0x17: {  	s4 =	simm.s32 $0x1BF5;
	[smem:$0x3FBB] =	sst s0  }
0x18: {  	s0 =	sld [smem:$0x3F9E];
	_ =	swait.ge [sflag:s4], $0x0  }
0x19: {  	s7 =	sld [smem:$0x3F9F]  }
0x1a: {  	s8 =	sadd.s32 $0xFFFFE003, lr  }
0x1b: {  	s9 =	sadd.s32 $0xFFFFFEF7, lr;
	s5 =	simm.s32 $0xFFFFFFFF;
	p2 =	slt.u32 s8, $0xFFFFF086  }
0x1c: {  	p1 =	slt.u32 s9, $0xF7A;
	s5 =	simm.s32 @!p2 $0x0  }
0x1d: {  	s5 =	simm.s32 @p1 $0x1;
	p0 =	seq.s32 s7, s2  }
0x1e: {  	s7 =	smul.u32 @!p0 $0xF7A, s2;
	p2 =	seq.s32 @!p0 s5, $0x0  }
0x1f: {  	s9 =	smul.u32 $0xF7A, s1;
	s8 =	simm.s32 @!p0 $0x1BF5;
	p2 =	por !p2, p0  }
0x20: {  	[sflag:s8] =	ssyncset.s32 @!p0 $0xFFFFF086;
	s6 =	sadd.s32 @!p0 s3, s7;
	s7 =	simm.s32 @!p0 $0x108  }
0x21: {  	s3 =	sadd.s32 s3, s9;
	s6 =	sadd.s32 @!p0 $0x88, s6;
	s7 =	simm.s32 @p2 $0x1082  }
0x22: {  	[simem:s7], [sflag:s8] =	dma.local @!p0 [hbm:s6], $0xF7A  }
0x23: {  	s9 =	sor.u32 $0xD0000000, s2;
	s6 =	simm.s32 $0x108;
	_ =	swait.ge @!p0 [sflag:s8], $0x0  }
0x24: {  	s3 =	sadd.s32 $0x88, s3;
	s6 =	simm.s32 @!p1 $0x1082;
	[sflag:s4] =	ssyncset.s32 $0xFFFFF086  }
0x25: {  	[simem:s6], [sflag:s4] =	dma.local [hbm:s3], $0xF7A  }
0x26: {  	[smem:$0x3F9F] =	sst s1;
	(tag) =	ssettag s2;
	_ =	strace s9  }
0x27: {  	s1 =	sld [smem:$0x3FAF]  }
0x28: {  	s2 =	sld [smem:$0x3FB0]  }
0x29: {  	s4 =	sld [smem:$0x3FB2]  }
0x2a: {  	p0 =	seq.s32 s5, $0x0;
	s5 =	sld [smem:$0x3FB3]  }
0x2b: {  	s6 =	sld [smem:$0x3FB4]  }
0x2c: {  	s7 =	sld [smem:$0x3FB5]  }
0x2d: {  	s3 =	simm.s32 $0x108;
	s8 =	sld [smem:$0x3FB6]  }
0x2e: {  	s3 =	simm.s32 @!p0 $0x1082;
	s9 =	sld [smem:$0x3FB7]  }
0x2f: {  	lr =	sadd.s32 s0, s3;
	s0 =	sld [smem:$0x3FAE]  }
0x30: {  	s3 =	sld [smem:$0x3FB1]  }
0x31: {  	[smem:$0x3FBA] =	sst s10  }
0x32: {  	s10 =	sld [smem:$0x3FB8];
	_ =	sdelay $0x3  }
0x33: {  	p0 =	seq.s32 s10, $0x1;
	s10 =	sld [smem:$0x3FBA];
	_ =	sdelay $0x3  }
0x34: {  	[smem:$0x3FBA] =	sst s10  }
0x35: {  	s10 =	sld [smem:$0x3FB9];
	_ =	sdelay $0x3  }
0x36: {  	p1 =	seq.s32 s10, $0x1;
	s10 =	sld [smem:$0x3FBA];
	_ =	sdelay $0x3  }
0x37: {  	[smem:$0x3FBA] =	sst s10  }
0x38: {  	s10 =	sld [smem:$0x3FBB]  }
0x39: {  	_ = 	snop;
	(pc) =	sbr.ind lr, $3  }
0x3a: {  	_ = 	snop  }
0x3b: {  	_ = 	snop  }
0x3c: {  	p2 =	seq.s32 s10, $0x1;
	s10 =	sld [smem:$0x3FBA]  }
0x3d: {  	_ =	shalt  }
0x3e: {  	_ =	shalt  }
0x3f: {  	_ =	shalt  }
0x40: {  	_ =	shalt  }
0x41: {  	_ =	shalt  }
0x42: {  	_ =	shalt  }
0x43: {  	_ =	shalt  }
0x44: {  	_ =	shalt  }
0x45: {  	_ =	shalt  }
0x46: {  	_ =	shalt  }
0x47: {  	_ =	shalt  }
0x48: {  	_ =	shalt  }
0x49: {  	_ =	shalt  }
0x4a: {  	_ =	shalt  }
0x4b: {  	_ =	shalt  }
0x4c: {  	_ =	shalt  }
0x4d: {  	_ =	shalt  }
0x4e: {  	_ =	shalt  }
0x4f: {  	_ =	shalt  }
0x50: {  	_ =	shalt  }
0x51: {  	_ =	shalt  }
0x52: {  	_ =	shalt  }
0x53: {  	_ =	shalt  }
0x54: {  	_ =	shalt  }
0x55: {  	_ =	shalt  }
0x56: {  	_ =	shalt  }
0x57: {  	_ =	shalt  }
0x58: {  	_ =	shalt  }
0x59: {  	_ =	shalt  }
0x5a: {  	_ =	shalt  }
0x5b: {  	_ =	shalt  }
0x5c: {  	_ =	shalt  }
0x5d: {  	_ =	shalt  }
0x5e: {  	_ =	shalt  }
0x5f: {  	_ =	shalt  }
0x60: {  	_ =	shalt  }
0x61: {  	_ =	shalt  }
0x62: {  	_ =	shalt  }
0x63: {  	_ =	shalt  }
0x64: {  	_ =	shalt  }
0x65: {  	_ =	shalt  }
0x66: {  	_ =	shalt  }
0x67: {  	_ =	shalt  }
0x68: {  	_ =	shalt  }
0x69: {  	_ =	shalt  }
0x6a: {  	_ =	shalt  }
0x6b: {  	_ =	shalt  }
0x6c: {  	_ =	shalt  }
0x6d: {  	_ =	shalt  }
0x6e: {  	_ =	shalt  }
0x6f: {  	_ =	shalt  }
0x70: {  	_ =	shalt  }
0x71: {  	_ =	shalt  }
0x72: {  	_ =	shalt  }
0x73: {  	_ =	shalt  }
0x74: {  	_ =	shalt  }
0x75: {  	_ =	shalt  }
0x76: {  	_ =	shalt  }
0x77: {  	_ =	shalt  }
0x78: {  	_ =	shalt  }
0x79: {  	_ =	shalt  }
0x7a: {  	_ =	shalt  }
0x7b: {  	_ =	shalt  }
0x7c: {  	_ =	shalt  }
0x7d: {  	_ =	shalt  }
0x7e: {  	_ =	shalt  }
0x7f: {  	_ =	shalt  }
0x80: {  	_ =	shalt  }
0x81: {  	_ =	shalt  }
0x82: {  	_ =	shalt  }
0x83: {  	_ =	shalt  }
0x84: {  	_ =	shalt  }
0x85: {  	_ =	shalt  }
0x86: {  	_ =	shalt  }
0x87: {  	_ =	shalt  }
.Lfunc_end0:
.L_simem_size_0:
called_computation_lowered:
.L_overlay_start_0:
0x88: {  	s2 =	sld [smem:$0x3FD9]  }
0x89: {  	s3 =	sld [smem:$0x3FFE];
	_ =	sdelay $0x1  }
0x8a: {  	s1 =	srdreg.scid  }
0x8b: {  	s0 =	sand.u32 $0x1, s1  }
0x8c: {  	s16 =	sshll.u32 s0, $0xA;
	s2 =	sadd.s32 s3, s2  }
0x8d: {  	s2 =	sadd.s32 s2, s16  }
0x8e: {  	[smem:$0x3FC6] =	sst s2  }
0x8f: {  	_ = 	snop  }
0x90: {  	(tm) =	ssettm $0x1  }
0x91: {  	s17 =	sld [smem:$0x3FFB];
	_ =	sdelay $0x3  }
0x92: {  	_ =	strace s17  }
0x93: {  	s2 =	sld [smem:$0x3FFC];
	_ =	sdelay $0x3  }
0x94: {  	_ =	strace s2  }
0x95: {  	s2 =	sld [smem:$0x3FFD];
	_ =	sdelay $0x3  }
0x96: {  	_ =	strace s2  }
0x97: {  	_ =	strace $0x8FFFFFFF  }
0x98: {  	s18 =	sld [smem:$0x3FDB];
	_ =	sdelay $0x1  }
0x99: {  	s19 =	simm.s32 $_scs_section_size  }
0x9a: {  	s4 =	simm.s32 $_size__tile_overlayer_lowered;
	s5 =	simm.s32 $_tile_overlayer_lowered  }
0x9b: {  	s22 =	simm.s32 $0x1BFF;
	s21 =	sshll.u32 s5, $0x1;
	s2 =	sadd.s32 s19, s18  }
0x9c: {  	s6 =	simm.s32 $0x0;
	s20 =	sshll.u32 s4, $0x1;
	s4 =	sadd.s32 s21, s2  }
0x9d: {  	[timem:s6], [sflag:s22] =	dma.local [hbm:s4], s20  }
0x9e: {  	_ =	swait.ge [sflag:s22], s20  }
0x9f: {  	s3 =	ssub.s32 $0x0, s20;
	[sflag:s22] =	ssyncset.done $0x0  }
0xa0: {  	[sflag:s22] =	ssyncadd.s32 s3;
	_ =	sdelay $0x1  }
0xa1: {  	s23 =	simm.s32 $0x1B8B  }
0xa2: {  	_ =	swait.ge [sflag:s23], $0x1  }
0xa3: {  	[sflag:s23] =	ssyncset.done $0x0  }
0xa4: {  	s25 =	simm.s32 $0x1B8E;
	s24 =	sld [smem:$0x3FFE];
	[sflag:s23] =	ssyncadd.s32 $0xFFFFFFFF  }
0xa5: {  	s26 =	simm.s32 $execute0_lowered;
	[smem:$0x3FD2] =	sst s25  }
0xa6: {  	s4 =	sshll.u32 s26, $0x1;
	_ =	strace $0x80000046;
	[dreg:$0x1] =	wrdreg $0xFFFFFFFF  }
0xa7: {  	s28 =	simm.s32 $_size_execute0_lowered;
	s2 =	sadd.s32 s2, s4;
	[dreg:$0x0] =	wrdreg $0x0  }
0xa8: {  	s4 =	sshll.u32 s28, $0x1;
	[dreg:$0x2] =	wrdreg s2  }
0xa9: {  	[dreg:$0x3] =	wrdreg s4  }
0xaa: {  	[dreg:$0x4] =	wrdreg $0xC0  }
0xab: {  	_ =	task [dreg:s6], $0x5FFFF  }
0xac: {  	[dreg:$0x1] =	wrdreg $0xFFFFFFFF  }
0xad: {  	[dreg:$0x0] =	wrdreg $0x60  }
0xae: {  	[dreg:$0x2] =	wrdreg s24  }
0xaf: {  	[dreg:$0x3] =	wrdreg $0x9  }
0xb0: {  	_ =	task.clear_ibuf [dreg:s6], $0x4FFFF;
	_ =	strace $0x90000046  }
0xb1: {  	s29 =	simm.s32 $0x9;
	_ =	strace $0x80000048  }
0xb2: {  	_ =	swait.ge [sflag:s29], $0x1  }
0xb3: {  	[sflag:s29] =	ssyncadd.s32 $0xFFFFFFFF  }
0xb4: {  	_ =	strace $0x90000048  }
0xb5: {  	_ =	sfence  }
0xb6: {  	s30 =	sld [smem:$0x0];
	_ =	sdelay $0x2  }
0xb7: {  	s31 =	sshll.u32 s1, $0xD;
	s1 =	sshrl.u32 s1, $0x2  }
0xb8: {  	s3 =	sand.u32 $0x4000, s31;
	s1 =	sadd.s32 s1, s30  }
0xb9: {  	s0 =	sor.u32 s3, s0;
	s1 =	sshll.u32 s1, $0x11  }
0xba: {  	s0 =	sor.u32 s1, s0  }
0xbb: {  	s0 =	sadd.s32 $0x8F2B, s0  }
0xbc: {  	[sflag:s0] =	ssyncadd.remote.s32 $0x1  }
0xbd: {  	_ =	sfence.sel $0xFFFF  }
0xbe: {  	[dreg:$0x0] =	wrdreg $0xFFFFFFFF;
	(pc) =	sbr.abs _section_cstart, $3  }
0xbf: {  	[dreg:$0x1] =	wrdreg $0xFFFFFFFF  }
0xc0: {  	_ =	task.clear_ibuf [dreg:s6], $0x2FFFF;
	_ =	strace $0x9FFFFFFF  }
0xc1: {  	(tm) =	ssettm $0x7FFFFFFF  }
tec
execute0_lowered:
.L_overlay_start_1:
0x0: {  	(tag) =	ssettag $0x1  }
0x1: {  	s4 =	rddreg [dreg:$0x0]  }
0x2: {  	s0 =	rddreg [dreg:$0x1];
	s1 =	stileid.u32  }
0x3: {  	s2 =	simm.s32 $0x0;
	s3 =	srdreg.scid;
	s10 =	simm.s32 $0x0  }
0x4: {  	s5 =	sshll.u32 s1, $0x1;
	[smem:$0x7FF] =	sst s2;
	s6 =	sand.u32 $0x1, s3  }
0x5: {  	s30 =	sshrl.u32 s1, $0x3;
	s7 =	sshll.u32 s1, $0x6;
	s29 =	sand.u32 $0xE, s5  }
0x6: {  	s7 =	sand.u32 $0x100, s7;
	s8 =	sshll.u32 s30, $0x7;
	s3 =	sor.u32 s6, s29  }
0x7: {  	_ =	strace $0x80000047;
	s5 =	sshll.u32 s30, $0x5;
	s3 =	sshll.u32 s3, $0x4  }
0x8: {  	s7 =	sor.u32 s8, s7;
	s6 =	ssub.s32 $0x2, s6;
	s9 =	sand.u32 $0x70, s3  }
0x9: {  	s5 =	sadd.s32 s5, s4;
	s31 =	sshrl.u32 s6, $0x1;
	s7 =	sor.u32 s7, s9  }
0xa: {  	s8 =	simm.s32 $0x100;
	s6 =	ssub.s32 s6, s31;
	s7 =	sshrl.u32 s7, $0x3  }
0xb: {  	v0 =	vlaneseq.u32;
	s6 =	smax.u32 s6, $0x1;
	s9 =	simm.s32 $0x180;
	s7 =	sadd.s32 s7, s4  }
0xc: {  	v3 =	vimm.s32 $0x0;
	v2 =	vor.u32 $0xFFFFFF00, v0;
	v1 =	vor.u32 s3, v0;
	s4 =	sadd.s32 $0xA00, s5;
	s5 =	sadd.s32 $0xC00, s7;
	s7 =	simm.s32 $0x1  }
.LBB2_1:
0xd: {  	[tilespmem:s2], [sflag:$0x1] =	stream.linear.gather [hbm4b:s4+s2], $0x100, $0x38;
	[tilespmem:$0x200] =	vst v63  }
0xe: {  	_ =	swait.ge [sflag:s7], $0x100  }
0xf: {  	[sflag:s7] =	ssyncset.done $0x0  }
0x10: {  	[sflag:s7] =	ssyncadd.s32 $0xFFFFFF00  }
0x11: {  	[tilespmem:s8], [sflag:$0x1] =	stream.linear.gather [hbm4b:s4+s2], $0x10, $0x38;
	[tilespmem:$0x200] =	vst v63  }
0x12: {  	_ =	swait.ge [sflag:s7], $0x10  }
0x13: {  	[sflag:s7] =	ssyncset.done $0x0  }
0x14: {  	[sflag:s7] =	ssyncadd.s32 $0xFFFFFFF0  }
0x15: {  	v4 =	vld [tilespmem:s3+$0x0]  }
0x16: {  	v5 =	vld [tilespmem:s2+$0x0]  }
0x17: {  	v6 =	vadd.s32 s2, v0  }
0x18: {  	v7 =	vadd.s32 s2, v2;
	vm0 =	vgt.u32 v6, $0xFF  }
0x19: {  	v6 =	vsel vm0, v7, v6  }
0x1a: {  	vm2 =	vlt.s32 v6, v1  }
0x1b: {  	s11 =	simm.s32 $0x1;
	s12 =	simm.s32 $0x1;
	vm0 =	vgt.f32 v5, v4;
	vm1 =	veq.f32 v5, v4;
	v5 =	vimm.s32 $0x0  }
.LBB2_2:
0x1c: {  	v6 =	vld [tilespmem:s12+$0x0];
	p0 =	sne.s32 s11, $0xFF;
	v7 =	vsel vm0, $0x1, v3;
	vm0 =	vmand vm2, vm1;
	s13 =	smov.u32 s11;
	s11 =	sadd.s32 $0x1, s11  }
.Ltmp0:
0x1d: {  	v8 =	vsel vm0, $0x1, v3;
	v5 =	vadd.s32 v7, v5;
	(pc) =	sbr.rel @p0 .LBB2_2-.Ltmp0, $4  }
0x1e: {  	v7 =	vadd.s32 s13, v0;
	v5 =	vadd.s32 v8, v5  }
0x1f: {  	vm0 =	vgt.u32 v7, $0xFF;
	v8 =	vadd.s32 s13, v2  }
0x20: {  	v7 =	vsel vm0, v8, v7  }
0x21: {  	s12 =	sadd.s32 $0x1, s12;
	vm2 =	vlt.s32 v7, v1;
	vm0 =	vgt.f32 v6, v4;
	vm1 =	veq.f32 v6, v4  }
0x22: {  	v4 =	vsel vm0, $0x1, v3;
	vm15 =	vmand vm2, vm1  }
0x23: {  	s10 =	sadd.s32 $0x1, s10;
	v6 =	vsel vm15, $0x1, v3;
	v4 =	vadd.s32 v4, v5  }
0x24: {  	p0 =	sne.s32 s10, s6;
	v4 =	vadd.s32 v6, v4  }
.Ltmp1:
0x25: {  	[tilespmem:$0x180] =	vst v4;
	(pc) =	sbr.rel @p0 .LBB2_1-.Ltmp1, $4  }
0x26: {  	[hbm4b:s5+s2] =	stream.linear.scatter [tilespmem:s9], [sflag:$0x1], $0x10, $0x38;
	[tilespmem:$0x200] =	vst v63  }
0x27: {  	_ =	swait.ge [sflag:s7], $0x10  }
0x28: {  	[sflag:s7] =	ssyncset.done $0x0  }
0x29: {  	[sflag:s7] =	ssyncadd.s32 $0xFFFFFFF0  }
0x2a: {  	_ =	sfence.sel $0x180000  }
0x2b: {  	[bflag:$0x0] =	sbarrier.arrive $0xFFFF  }
0x2c: {  	p0 =	sne.s32 s1, $0x0;
	_ =	strace $0x90000047  }
0x2d: {  	s0 =	sadd.s32 @!p0 $0x100000, s0;
	[bflag:$0x2] =	sbarrier.arrive $0xFFFF  }
0x2e: {  	[sflag:s0] =	ssyncadd.tile.s32 @!p0 $0x1;
	_ =	shalt  }
.Lfunc_end2:
_tile_overlayer_lowered:
.L_overlay_start_2:
0x2f: {  	(tag) =	ssettag $0x2  }
0x30: {  	s0 =	rddreg [dreg:$0x0];
	s2 =	stileid.u32  }
0x31: {  	s1 =	rddreg [dreg:$0x1];
	p0 =	sne.s32 s2, $0x0  }
0x32: {  	s3 =	rddreg [dreg:$0x2];
	[bflag:$0x3] =	sbarrier.arrive $0xFFFF;
	s2 =	simm.s32 @!p0 $0x1C01  }
0x33: {  	[timem:s3], [sflag:s2] =	dma.local @!p0 [hbm:s0], s1  }
0x34: {  	s0 =	simm.s32 @!p0 $0x1  }
0x35: {  	_ =	swait.ge @!p0 [sflag:s0], s1  }
0x36: {  	s1 =	ssub.s32 @!p0 $0x0, s1;
	[sflag:s0] =	ssyncset.done @!p0 $0x0  }
0x37: {  	[sflag:s0] =	ssyncadd.s32 @!p0 s1  }
0x38: {  	[bflag:$0x3] =	sbarrier.arrive $0xFFFF  }
0x39: {  	_ =	shalt  }

</sc_bundles>
